<compile_context>
chip_gen: v7x
topology: tpu7x:2x2x1
jax: 0.10.2.dev20260603
libtpu: 0.0.44.dev20260713+nightly
codegen_flags: <defaults>
</compile_context>

<pallas_src>
import functools

import jax
import jax.numpy as jnp
from jax import lax
from jax.experimental import pallas as pl
from jax.experimental.pallas import tpu as pltpu
from jax.experimental.pallas import tpu_sc as plsc

_CHUNK = 128


def kernel(t, table):
    (B,) = t.shape
    V, D = table.shape

    info = plsc.get_sparse_core_info()
    NC, NS = info.num_cores, info.num_subcores
    NW = NC * NS

    n_chunks = B // (NW * _CHUNK)
    assert B == NW * n_chunks * _CHUNK

    rpt = ((V + NS - 1) // NS + 7) // 8 * 8
    n_full = V // rpt
    rem = V - n_full * rpt
    assert rem % 8 == 0 and V % 8 == 0

    idx = t.reshape(NW, n_chunks, _CHUNK)
    mesh = plsc.VectorSubcoreMesh(core_axis_name="c", subcore_axis_name="s")

    @functools.partial(
        pl.kernel,
        mesh=mesh,
        out_type=jax.ShapeDtypeStruct((NW, n_chunks, _CHUNK, D), jnp.float32),
        scratch_types=[
            pltpu.VMEM((n_chunks, _CHUNK), jnp.int32),
            pltpu.VMEM((n_chunks, _CHUNK, D), jnp.float32),
            pltpu.VMEM_SHARED((V, D), jnp.float32),
            pltpu.SemaphoreType.DMA,
            pltpu.SemaphoreType.DMA,
        ],
    )
    def emb(table_hbm, idx_hbm, out_hbm, idx_v, rows_v, table_sp, gsem, wsem):
        cid = lax.axis_index("c")
        sid = lax.axis_index("s")
        wid = sid * NC + cid
        idx_cp = pltpu.async_copy(idx_hbm.at[wid], idx_v, wsem)

        @pl.when(sid < n_full)
        def _():
            pltpu.sync_copy(
                table_hbm.at[pl.ds(sid * rpt, rpt)],
                table_sp.at[pl.ds(sid * rpt, rpt)],
            )

        if rem:

            @pl.when(sid == n_full)
            def _():
                pltpu.sync_copy(
                    table_hbm.at[pl.ds(n_full * rpt, rem)],
                    table_sp.at[pl.ds(n_full * rpt, rem)],
                )

        idx_cp.wait()
        plsc.subcore_barrier()
        gathers = [
            pltpu.async_copy(table_sp.at[idx_v.at[j]], rows_v.at[j], gsem)
            for j in range(n_chunks)
        ]
        writes = []
        for j in range(n_chunks):
            gathers[j].wait()
            writes.append(pltpu.async_copy(rows_v.at[j], out_hbm.at[wid, j], wsem))
        for w in writes:
            w.wait()

    return emb(table, idx).reshape(B, D)

# --- scband reference (transcript-rebuilt; emitter-appended) ---
"""Pipeline reference for scband-embedding-block-47828755808585 (READ-ONLY COPY).

The authoritative reference and input builder live on the scoring server;
editing this copy changes nothing except your own understanding.
"""

import jax, jax.numpy as jnp
import numpy as np

N_STEPS = 1000
D_MODEL = 128
BATCH = 16384


def pos_encoding(n_steps, d_model):
    pos = jnp.arange(n_steps, dtype=jnp.float32)[:, None]
    i = jnp.arange(0, d_model, 2, dtype=jnp.float32)
    div = jnp.exp(-jnp.log(10000.0) * i / d_model)
    table = jnp.zeros((n_steps, d_model), dtype=jnp.float32)
    table = table.at[:, 0::2].set(jnp.sin(pos * div))
    table = table.at[:, 1::2].set(jnp.cos(pos * div))
    return table


def setup_inputs(seed: int = 0) -> dict:
    key = jax.random.key(seed)
    t = jax.random.randint(key, (BATCH,), 0, N_STEPS, dtype=jnp.int64 if jax.config.read('jax_enable_x64') else jnp.int32)
    table = pos_encoding(N_STEPS, D_MODEL)
    return {"t": t, "table": table}


def reference(t, table):
    # EmbeddingBlock.forward: t -> t_embed(t), a pure embedding lookup (gather)
    return jnp.take(table, t, axis=0)

if __name__ == "__main__":
    import jax
    _d = setup_inputs()
    print(jax.jit(kernel)(*tuple(_d.values())))

</pallas_src>

<mosaic_0001>
#map = affine_map<(d0, d1) -> (0, 0)>
#map1 = affine_map<(d0, d1) -> (0, 0, 0)>
#map2 = affine_map<(d0, d1) -> (0, 0, 0, 0)>
module attributes {stable_mosaic.version = 14 : i64} {
  func.func @emb(%arg0: i32, %arg1: i32, %arg2: memref<1000x128xf32, #tpu.memory_space<hbm>>, %arg3: memref<32x4x128xi32, #tpu.memory_space<hbm>>, %arg4: memref<32x4x128x128xf32, #tpu.memory_space<hbm>>, %arg5: memref<4x128xi32, #tpu.memory_space<vmem>>, %arg6: memref<4x128x128xf32, #tpu.memory_space<vmem>>, %arg7: memref<1000x128xf32, #tpu.memory_space<vmem_shared>>, %arg8: memref<!tpu.dma_semaphore, #tpu.memory_space<semaphore_mem>>, %arg9: memref<!tpu.dma_semaphore, #tpu.memory_space<semaphore_mem>>) attributes {dimension_semantics = [#tpu.dimension_semantics<core_parallel>, #tpu.dimension_semantics<subcore_parallel>], iteration_bounds = array<i64: 2, 16>, scalar_prefetch = 0 : i64, scratch_operands = 5 : i64, tpu.core_type = #tpu.core_type<sc_vector_subcore>, window_params = [{transform_indices = #map}, {transform_indices = #map1}, {transform_indices = #map2}]} {
    %mul3A = arith.constant 2 : i32
    %mul3A_0 = arith.muli %arg1, %mul3A : i32
    %add3A = arith.addi %mul3A_0, %arg0 : i32
    %dma_start3A = arith.constant 0 : i32
    %dma_start3A_1 = arith.constant 0 : i32
    %dma_start3A_2 = tpu.memref_slice %arg3[%add3A, %dma_start3A, %dma_start3A_1] : memref<32x4x128xi32, #tpu.memory_space<hbm>> -> memref<1x4x128xi32, #tpu.memory_space<hbm>>
    %dma_start3A_3 = tpu.memref_squeeze %dma_start3A_2 : memref<1x4x128xi32, #tpu.memory_space<hbm>> -> memref<4x128xi32, #tpu.memory_space<hbm>>
    %dma_start3A_4 = arith.constant 0 : i32
    %dma_start3A_5 = arith.constant 0 : i32
    %dma_start3A_6 = tpu.memref_slice %arg3[%add3A, %dma_start3A_4, %dma_start3A_5] : memref<32x4x128xi32, #tpu.memory_space<hbm>> -> memref<1x4x128xi32, #tpu.memory_space<hbm>>
    %dma_start3A_7 = tpu.memref_squeeze %dma_start3A_6 : memref<1x4x128xi32, #tpu.memory_space<hbm>> -> memref<4x128xi32, #tpu.memory_space<hbm>>
    tpu.enqueue_dma source(%dma_start3A_7 : memref<4x128xi32, #tpu.memory_space<hbm>>) target(%arg5 : memref<4x128xi32, #tpu.memory_space<vmem>>) target_semaphore(%arg9 : memref<!tpu.dma_semaphore, #tpu.memory_space<semaphore_mem>>)
    %lt3A = arith.constant 15 : i32
    %lt3A_8 = arith.cmpi slt, %arg1, %lt3A : i32
    %convert_element_type3A = arith.extui %lt3A_8 : i1 to i32
    %cond3A = arith.constant 0 : i32
    %cond3A_9 = arith.cmpi ne, %convert_element_type3A, %cond3A : i32
    scf.if %cond3A_9 {
      %mul3A_261 = arith.constant 64 : i32
      %mul3A_262 = arith.muli %arg1, %mul3A_261 : i32
      %mul3A_263 = arith.constant 64 : i32
      %mul3A_264 = arith.muli %arg1, %mul3A_263 : i32
      "tpu.region"() ({
        %run_scoped3A = tpu.sem_alloc : memref<!tpu.dma_semaphore, #tpu.memory_space<semaphore_mem>>
        %dma_start3A_265 = arith.constant 0 : i32
        %dma_start3A_266 = tpu.memref_slice %arg7[%mul3A_264, %dma_start3A_265] : memref<1000x128xf32, #tpu.memory_space<vmem_shared>> -> memref<64x128xf32, #tpu.memory_space<vmem_shared>>
        %dma_start3A_267 = arith.constant 0 : i32
        %dma_start3A_268 = tpu.memref_slice %arg2[%mul3A_262, %dma_start3A_267] : memref<1000x128xf32, #tpu.memory_space<hbm>> -> memref<64x128xf32, #tpu.memory_space<hbm>>
        tpu.enqueue_dma source(%dma_start3A_268 : memref<64x128xf32, #tpu.memory_space<hbm>>) target(%dma_start3A_266 : memref<64x128xf32, #tpu.memory_space<vmem_shared>>) target_semaphore(%run_scoped3A : memref<!tpu.dma_semaphore, #tpu.memory_space<semaphore_mem>>)
        %dma_wait3A_269 = arith.constant 0 : i32
        %dma_wait3A_270 = tpu.memref_slice %arg7[%mul3A_264, %dma_wait3A_269] : memref<1000x128xf32, #tpu.memory_space<vmem_shared>> -> memref<64x128xf32, #tpu.memory_space<vmem_shared>>
        %dma_wait3A_271 = arith.constant 0 : i32
        %dma_wait3A_272 = tpu.memref_slice %arg2[%mul3A_262, %dma_wait3A_271] : memref<1000x128xf32, #tpu.memory_space<hbm>> -> memref<64x128xf32, #tpu.memory_space<hbm>>
        tpu.wait_dma2 semaphore(%run_scoped3A : memref<!tpu.dma_semaphore, #tpu.memory_space<semaphore_mem>>) src(%dma_wait3A_272 : memref<64x128xf32, #tpu.memory_space<hbm>>) dst(%dma_wait3A_270 : memref<64x128xf32, #tpu.memory_space<vmem_shared>>)
        tpu.yield
      }) : () -> ()
    } else {
    }
    %eq3A = arith.constant 15 : i32
    %eq3A_10 = arith.cmpi eq, %arg1, %eq3A : i32
    %convert_element_type3A_11 = arith.extui %eq3A_10 : i1 to i32
    %cond3A_12 = arith.constant 0 : i32
    %cond3A_13 = arith.cmpi ne, %convert_element_type3A_11, %cond3A_12 : i32
    scf.if %cond3A_13 {
      "tpu.region"() ({
        %run_scoped3A = tpu.sem_alloc : memref<!tpu.dma_semaphore, #tpu.memory_space<semaphore_mem>>
        %dma_start3A_261 = arith.constant 960 : i32
        %dma_start3A_262 = arith.constant 0 : i32
        %dma_start3A_263 = tpu.memref_slice %arg7[%dma_start3A_261, %dma_start3A_262] : memref<1000x128xf32, #tpu.memory_space<vmem_shared>> -> memref<40x128xf32, #tpu.memory_space<vmem_shared>>
        %dma_start3A_264 = arith.constant 960 : i32
        %dma_start3A_265 = arith.constant 0 : i32
        %dma_start3A_266 = tpu.memref_slice %arg2[%dma_start3A_264, %dma_start3A_265] : memref<1000x128xf32, #tpu.memory_space<hbm>> -> memref<40x128xf32, #tpu.memory_space<hbm>>
        tpu.enqueue_dma source(%dma_start3A_266 : memref<40x128xf32, #tpu.memory_space<hbm>>) target(%dma_start3A_263 : memref<40x128xf32, #tpu.memory_space<vmem_shared>>) target_semaphore(%run_scoped3A : memref<!tpu.dma_semaphore, #tpu.memory_space<semaphore_mem>>)
        %dma_wait3A_267 = arith.constant 960 : i32
        %dma_wait3A_268 = arith.constant 0 : i32
        %dma_wait3A_269 = tpu.memref_slice %arg7[%dma_wait3A_267, %dma_wait3A_268] : memref<1000x128xf32, #tpu.memory_space<vmem_shared>> -> memref<40x128xf32, #tpu.memory_space<vmem_shared>>
        %dma_wait3A_270 = arith.constant 960 : i32
        %dma_wait3A_271 = arith.constant 0 : i32
        %dma_wait3A_272 = tpu.memref_slice %arg2[%dma_wait3A_270, %dma_wait3A_271] : memref<1000x128xf32, #tpu.memory_space<hbm>> -> memref<40x128xf32, #tpu.memory_space<hbm>>
        tpu.wait_dma2 semaphore(%run_scoped3A : memref<!tpu.dma_semaphore, #tpu.memory_space<semaphore_mem>>) src(%dma_wait3A_272 : memref<40x128xf32, #tpu.memory_space<hbm>>) dst(%dma_wait3A_269 : memref<40x128xf32, #tpu.memory_space<vmem_shared>>)
        tpu.yield
      }) : () -> ()
    } else {
    }
    %dma_wait3A = arith.constant 0 : i32
    %dma_wait3A_14 = arith.constant 0 : i32
    %dma_wait3A_15 = tpu.memref_slice %arg3[%add3A, %dma_wait3A, %dma_wait3A_14] : memref<32x4x128xi32, #tpu.memory_space<hbm>> -> memref<1x4x128xi32, #tpu.memory_space<hbm>>
    %dma_wait3A_16 = tpu.memref_squeeze %dma_wait3A_15 : memref<1x4x128xi32, #tpu.memory_space<hbm>> -> memref<4x128xi32, #tpu.memory_space<hbm>>
    %dma_wait3A_17 = arith.constant 0 : i32
    %dma_wait3A_18 = arith.constant 0 : i32
    %dma_wait3A_19 = tpu.memref_slice %arg3[%add3A, %dma_wait3A_17, %dma_wait3A_18] : memref<32x4x128xi32, #tpu.memory_space<hbm>> -> memref<1x4x128xi32, #tpu.memory_space<hbm>>
    %dma_wait3A_20 = tpu.memref_squeeze %dma_wait3A_19 : memref<1x4x128xi32, #tpu.memory_space<hbm>> -> memref<4x128xi32, #tpu.memory_space<hbm>>
    tpu.wait_dma2 semaphore(%arg9 : memref<!tpu.dma_semaphore, #tpu.memory_space<semaphore_mem>>) src(%dma_wait3A_20 : memref<4x128xi32, #tpu.memory_space<hbm>>) dst(%arg5 : memref<4x128xi32, #tpu.memory_space<vmem>>)
    %barrier3A = arith.constant 0 : index
    tpu.barrier barrier_id(%barrier3A)
    %dma_start3A_21 = arith.constant 0 : i32
    %dma_start3A_22 = arith.constant 0 : i32
    %dma_start3A_23 = arith.constant 0 : i32
    %dma_start3A_24 = arith.constant 0 : i32
    %dma_start3A_25 = tpu.memref_slice %arg6[%dma_start3A_22, %dma_start3A_23, %dma_start3A_24] : memref<4x128x128xf32, #tpu.memory_space<vmem>> -> memref<1x128x128xf32, #tpu.memory_space<vmem>>
    %dma_start3A_26 = tpu.memref_squeeze %dma_start3A_25 : memref<1x128x128xf32, #tpu.memory_space<vmem>> -> memref<128x128xf32, #tpu.memory_space<vmem>>
    %dma_start3A_27 = arith.constant 0 : i32
    %dma_start3A_28 = tpu.memref_slice %arg5[%dma_start3A_21, %dma_start3A_27] : memref<4x128xi32, #tpu.memory_space<vmem>> -> memref<1x128xi32, #tpu.memory_space<vmem>>
    %dma_start3A_29 = tpu.memref_squeeze %dma_start3A_28 : memref<1x128xi32, #tpu.memory_space<vmem>> -> memref<128xi32, #tpu.memory_space<vmem>>
    %dma_start3A_30 = arith.constant 0 : i32
    %dma_start3A_31 = arith.constant 0 : i32
    %dma_start3A_32 = tpu.memref_slice %arg7[%dma_start3A_30, %dma_start3A_31] : memref<1000x128xf32, #tpu.memory_space<vmem_shared>> -> memref<1000x128xf32, #tpu.memory_space<vmem_shared>>
    tpu.enqueue_indirect_dma source(%dma_start3A_32 : memref<1000x128xf32, #tpu.memory_space<vmem_shared>>) target(%dma_start3A_26 : memref<128x128xf32, #tpu.memory_space<vmem>>) offsets(%dma_start3A_29 : memref<128xi32, #tpu.memory_space<vmem>>) semaphore(%arg8 : memref<!tpu.dma_semaphore, #tpu.memory_space<semaphore_mem>>)
    %dma_start3A_33 = arith.constant 1 : i32
    %dma_start3A_34 = arith.constant 1 : i32
    %dma_start3A_35 = arith.constant 0 : i32
    %dma_start3A_36 = arith.constant 0 : i32
    %dma_start3A_37 = tpu.memref_slice %arg6[%dma_start3A_34, %dma_start3A_35, %dma_start3A_36] : memref<4x128x128xf32, #tpu.memory_space<vmem>> -> memref<1x128x128xf32, #tpu.memory_space<vmem>>
    %dma_start3A_38 = tpu.memref_squeeze %dma_start3A_37 : memref<1x128x128xf32, #tpu.memory_space<vmem>> -> memref<128x128xf32, #tpu.memory_space<vmem>>
    %dma_start3A_39 = arith.constant 0 : i32
    %dma_start3A_40 = tpu.memref_slice %arg5[%dma_start3A_33, %dma_start3A_39] : memref<4x128xi32, #tpu.memory_space<vmem>> -> memref<1x128xi32, #tpu.memory_space<vmem>>
    %dma_start3A_41 = tpu.memref_squeeze %dma_start3A_40 : memref<1x128xi32, #tpu.memory_space<vmem>> -> memref<128xi32, #tpu.memory_space<vmem>>
    %dma_start3A_42 = arith.constant 0 : i32
    %dma_start3A_43 = arith.constant 0 : i32
    %dma_start3A_44 = tpu.memref_slice %arg7[%dma_start3A_42, %dma_start3A_43] : memref<1000x128xf32, #tpu.memory_space<vmem_shared>> -> memref<1000x128xf32, #tpu.memory_space<vmem_shared>>
    tpu.enqueue_indirect_dma source(%dma_start3A_44 : memref<1000x128xf32, #tpu.memory_space<vmem_shared>>) target(%dma_start3A_38 : memref<128x128xf32, #tpu.memory_space<vmem>>) offsets(%dma_start3A_41 : memref<128xi32, #tpu.memory_space<vmem>>) semaphore(%arg8 : memref<!tpu.dma_semaphore, #tpu.memory_space<semaphore_mem>>)
    %dma_start3A_45 = arith.constant 2 : i32
    %dma_start3A_46 = arith.constant 2 : i32
    %dma_start3A_47 = arith.constant 0 : i32
    %dma_start3A_48 = arith.constant 0 : i32
    %dma_start3A_49 = tpu.memref_slice %arg6[%dma_start3A_46, %dma_start3A_47, %dma_start3A_48] : memref<4x128x128xf32, #tpu.memory_space<vmem>> -> memref<1x128x128xf32, #tpu.memory_space<vmem>>
    %dma_start3A_50 = tpu.memref_squeeze %dma_start3A_49 : memref<1x128x128xf32, #tpu.memory_space<vmem>> -> memref<128x128xf32, #tpu.memory_space<vmem>>
    %dma_start3A_51 = arith.constant 0 : i32
    %dma_start3A_52 = tpu.memref_slice %arg5[%dma_start3A_45, %dma_start3A_51] : memref<4x128xi32, #tpu.memory_space<vmem>> -> memref<1x128xi32, #tpu.memory_space<vmem>>
    %dma_start3A_53 = tpu.memref_squeeze %dma_start3A_52 : memref<1x128xi32, #tpu.memory_space<vmem>> -> memref<128xi32, #tpu.memory_space<vmem>>
    %dma_start3A_54 = arith.constant 0 : i32
    %dma_start3A_55 = arith.constant 0 : i32
    %dma_start3A_56 = tpu.memref_slice %arg7[%dma_start3A_54, %dma_start3A_55] : memref<1000x128xf32, #tpu.memory_space<vmem_shared>> -> memref<1000x128xf32, #tpu.memory_space<vmem_shared>>
    tpu.enqueue_indirect_dma source(%dma_start3A_56 : memref<1000x128xf32, #tpu.memory_space<vmem_shared>>) target(%dma_start3A_50 : memref<128x128xf32, #tpu.memory_space<vmem>>) offsets(%dma_start3A_53 : memref<128xi32, #tpu.memory_space<vmem>>) semaphore(%arg8 : memref<!tpu.dma_semaphore, #tpu.memory_space<semaphore_mem>>)
    %dma_start3A_57 = arith.constant 3 : i32
    %dma_start3A_58 = arith.constant 3 : i32
    %dma_start3A_59 = arith.constant 0 : i32
    %dma_start3A_60 = arith.constant 0 : i32
    %dma_start3A_61 = tpu.memref_slice %arg6[%dma_start3A_58, %dma_start3A_59, %dma_start3A_60] : memref<4x128x128xf32, #tpu.memory_space<vmem>> -> memref<1x128x128xf32, #tpu.memory_space<vmem>>
    %dma_start3A_62 = tpu.memref_squeeze %dma_start3A_61 : memref<1x128x128xf32, #tpu.memory_space<vmem>> -> memref<128x128xf32, #tpu.memory_space<vmem>>
    %dma_start3A_63 = arith.constant 0 : i32
    %dma_start3A_64 = tpu.memref_slice %arg5[%dma_start3A_57, %dma_start3A_63] : memref<4x128xi32, #tpu.memory_space<vmem>> -> memref<1x128xi32, #tpu.memory_space<vmem>>
    %dma_start3A_65 = tpu.memref_squeeze %dma_start3A_64 : memref<1x128xi32, #tpu.memory_space<vmem>> -> memref<128xi32, #tpu.memory_space<vmem>>
    %dma_start3A_66 = arith.constant 0 : i32
    %dma_start3A_67 = arith.constant 0 : i32
    %dma_start3A_68 = tpu.memref_slice %arg7[%dma_start3A_66, %dma_start3A_67] : memref<1000x128xf32, #tpu.memory_space<vmem_shared>> -> memref<1000x128xf32, #tpu.memory_space<vmem_shared>>
    tpu.enqueue_indirect_dma source(%dma_start3A_68 : memref<1000x128xf32, #tpu.memory_space<vmem_shared>>) target(%dma_start3A_62 : memref<128x128xf32, #tpu.memory_space<vmem>>) offsets(%dma_start3A_65 : memref<128xi32, #tpu.memory_space<vmem>>) semaphore(%arg8 : memref<!tpu.dma_semaphore, #tpu.memory_space<semaphore_mem>>)
    %dma_wait3A_69 = arith.constant 0 : i32
    %dma_wait3A_70 = arith.constant 0 : i32
    %dma_wait3A_71 = arith.constant 0 : i32
    %dma_wait3A_72 = arith.constant 0 : i32
    %dma_wait3A_73 = tpu.memref_slice %arg6[%dma_wait3A_70, %dma_wait3A_71, %dma_wait3A_72] : memref<4x128x128xf32, #tpu.memory_space<vmem>> -> memref<1x128x128xf32, #tpu.memory_space<vmem>>
    %dma_wait3A_74 = tpu.memref_squeeze %dma_wait3A_73 : memref<1x128x128xf32, #tpu.memory_space<vmem>> -> memref<128x128xf32, #tpu.memory_space<vmem>>
    %dma_wait3A_75 = arith.constant 0 : i32
    %dma_wait3A_76 = tpu.memref_slice %arg5[%dma_wait3A_69, %dma_wait3A_75] : memref<4x128xi32, #tpu.memory_space<vmem>> -> memref<1x128xi32, #tpu.memory_space<vmem>>
    %dma_wait3A_77 = tpu.memref_squeeze %dma_wait3A_76 : memref<1x128xi32, #tpu.memory_space<vmem>> -> memref<128xi32, #tpu.memory_space<vmem>>
    %dma_wait3A_78 = arith.constant 0 : i32
    %dma_wait3A_79 = arith.constant 0 : i32
    %dma_wait3A_80 = tpu.memref_slice %arg7[%dma_wait3A_78, %dma_wait3A_79] : memref<1000x128xf32, #tpu.memory_space<vmem_shared>> -> memref<1000x128xf32, #tpu.memory_space<vmem_shared>>
    tpu.wait_indirect_dma semaphore(%arg8 : memref<!tpu.dma_semaphore, #tpu.memory_space<semaphore_mem>>) src(%dma_wait3A_80 : memref<1000x128xf32, #tpu.memory_space<vmem_shared>>) dst(%dma_wait3A_74 : memref<128x128xf32, #tpu.memory_space<vmem>>)
    %dma_start3A_81 = arith.constant 0 : i32
    %dma_start3A_82 = arith.constant 0 : i32
    %dma_start3A_83 = arith.constant 0 : i32
    %dma_start3A_84 = arith.constant 0 : i32
    %dma_start3A_85 = tpu.memref_slice %arg6[%dma_start3A_81, %dma_start3A_83, %dma_start3A_84] : memref<4x128x128xf32, #tpu.memory_space<vmem>> -> memref<1x128x128xf32, #tpu.memory_space<vmem>>
    %dma_start3A_86 = tpu.memref_squeeze %dma_start3A_85 : memref<1x128x128xf32, #tpu.memory_space<vmem>> -> memref<128x128xf32, #tpu.memory_space<vmem>>
    %dma_start3A_87 = arith.constant 0 : i32
    %dma_start3A_88 = arith.constant 0 : i32
    %dma_start3A_89 = tpu.memref_slice %arg4[%add3A, %dma_start3A_82, %dma_start3A_87, %dma_start3A_88] : memref<32x4x128x128xf32, #tpu.memory_space<hbm>> -> memref<1x1x128x128xf32, #tpu.memory_space<hbm>>
    %dma_start3A_90 = tpu.memref_squeeze %dma_start3A_89 : memref<1x1x128x128xf32, #tpu.memory_space<hbm>> -> memref<128x128xf32, #tpu.memory_space<hbm>>
    %dma_start3A_91 = arith.constant 0 : i32
    %dma_start3A_92 = arith.constant 0 : i32
    %dma_start3A_93 = tpu.memref_slice %arg4[%add3A, %dma_start3A_82, %dma_start3A_91, %dma_start3A_92] : memref<32x4x128x128xf32, #tpu.memory_space<hbm>> -> memref<1x1x128x128xf32, #tpu.memory_space<hbm>>
    %dma_start3A_94 = tpu.memref_squeeze %dma_start3A_93 : memref<1x1x128x128xf32, #tpu.memory_space<hbm>> -> memref<128x128xf32, #tpu.memory_space<hbm>>
    %dma_start3A_95 = arith.constant 0 : i32
    %dma_start3A_96 = arith.constant 0 : i32
    %dma_start3A_97 = tpu.memref_slice %arg6[%dma_start3A_81, %dma_start3A_95, %dma_start3A_96] : memref<4x128x128xf32, #tpu.memory_space<vmem>> -> memref<1x128x128xf32, #tpu.memory_space<vmem>>
    %dma_start3A_98 = tpu.memref_squeeze %dma_start3A_97 : memref<1x128x128xf32, #tpu.memory_space<vmem>> -> memref<128x128xf32, #tpu.memory_space<vmem>>
    tpu.enqueue_dma source(%dma_start3A_98 : memref<128x128xf32, #tpu.memory_space<vmem>>) target(%dma_start3A_94 : memref<128x128xf32, #tpu.memory_space<hbm>>) target_semaphore(%arg9 : memref<!tpu.dma_semaphore, #tpu.memory_space<semaphore_mem>>)
    %dma_wait3A_99 = arith.constant 1 : i32
    %dma_wait3A_100 = arith.constant 1 : i32
    %dma_wait3A_101 = arith.constant 0 : i32
    %dma_wait3A_102 = arith.constant 0 : i32
    %dma_wait3A_103 = tpu.memref_slice %arg6[%dma_wait3A_100, %dma_wait3A_101, %dma_wait3A_102] : memref<4x128x128xf32, #tpu.memory_space<vmem>> -> memref<1x128x128xf32, #tpu.memory_space<vmem>>
    %dma_wait3A_104 = tpu.memref_squeeze %dma_wait3A_103 : memref<1x128x128xf32, #tpu.memory_space<vmem>> -> memref<128x128xf32, #tpu.memory_space<vmem>>
    %dma_wait3A_105 = arith.constant 0 : i32
    %dma_wait3A_106 = tpu.memref_slice %arg5[%dma_wait3A_99, %dma_wait3A_105] : memref<4x128xi32, #tpu.memory_space<vmem>> -> memref<1x128xi32, #tpu.memory_space<vmem>>
    %dma_wait3A_107 = tpu.memref_squeeze %dma_wait3A_106 : memref<1x128xi32, #tpu.memory_space<vmem>> -> memref<128xi32, #tpu.memory_space<vmem>>
    %dma_wait3A_108 = arith.constant 0 : i32
    %dma_wait3A_109 = arith.constant 0 : i32
    %dma_wait3A_110 = tpu.memref_slice %arg7[%dma_wait3A_108, %dma_wait3A_109] : memref<1000x128xf32, #tpu.memory_space<vmem_shared>> -> memref<1000x128xf32, #tpu.memory_space<vmem_shared>>
    tpu.wait_indirect_dma semaphore(%arg8 : memref<!tpu.dma_semaphore, #tpu.memory_space<semaphore_mem>>) src(%dma_wait3A_110 : memref<1000x128xf32, #tpu.memory_space<vmem_shared>>) dst(%dma_wait3A_104 : memref<128x128xf32, #tpu.memory_space<vmem>>)
    %dma_start3A_111 = arith.constant 1 : i32
    %dma_start3A_112 = arith.constant 1 : i32
    %dma_start3A_113 = arith.constant 0 : i32
    %dma_start3A_114 = arith.constant 0 : i32
    %dma_start3A_115 = tpu.memref_slice %arg6[%dma_start3A_111, %dma_start3A_113, %dma_start3A_114] : memref<4x128x128xf32, #tpu.memory_space<vmem>> -> memref<1x128x128xf32, #tpu.memory_space<vmem>>
    %dma_start3A_116 = tpu.memref_squeeze %dma_start3A_115 : memref<1x128x128xf32, #tpu.memory_space<vmem>> -> memref<128x128xf32, #tpu.memory_space<vmem>>
    %dma_start3A_117 = arith.constant 0 : i32
    %dma_start3A_118 = arith.constant 0 : i32
    %dma_start3A_119 = tpu.memref_slice %arg4[%add3A, %dma_start3A_112, %dma_start3A_117, %dma_start3A_118] : memref<32x4x128x128xf32, #tpu.memory_space<hbm>> -> memref<1x1x128x128xf32, #tpu.memory_space<hbm>>
    %dma_start3A_120 = tpu.memref_squeeze %dma_start3A_119 : memref<1x1x128x128xf32, #tpu.memory_space<hbm>> -> memref<128x128xf32, #tpu.memory_space<hbm>>
    %dma_start3A_121 = arith.constant 0 : i32
    %dma_start3A_122 = arith.constant 0 : i32
    %dma_start3A_123 = tpu.memref_slice %arg4[%add3A, %dma_start3A_112, %dma_start3A_121, %dma_start3A_122] : memref<32x4x128x128xf32, #tpu.memory_space<hbm>> -> memref<1x1x128x128xf32, #tpu.memory_space<hbm>>
    %dma_start3A_124 = tpu.memref_squeeze %dma_start3A_123 : memref<1x1x128x128xf32, #tpu.memory_space<hbm>> -> memref<128x128xf32, #tpu.memory_space<hbm>>
    %dma_start3A_125 = arith.constant 0 : i32
    %dma_start3A_126 = arith.constant 0 : i32
    %dma_start3A_127 = tpu.memref_slice %arg6[%dma_start3A_111, %dma_start3A_125, %dma_start3A_126] : memref<4x128x128xf32, #tpu.memory_space<vmem>> -> memref<1x128x128xf32, #tpu.memory_space<vmem>>
    %dma_start3A_128 = tpu.memref_squeeze %dma_start3A_127 : memref<1x128x128xf32, #tpu.memory_space<vmem>> -> memref<128x128xf32, #tpu.memory_space<vmem>>
    tpu.enqueue_dma source(%dma_start3A_128 : memref<128x128xf32, #tpu.memory_space<vmem>>) target(%dma_start3A_124 : memref<128x128xf32, #tpu.memory_space<hbm>>) target_semaphore(%arg9 : memref<!tpu.dma_semaphore, #tpu.memory_space<semaphore_mem>>)
    %dma_wait3A_129 = arith.constant 2 : i32
    %dma_wait3A_130 = arith.constant 2 : i32
    %dma_wait3A_131 = arith.constant 0 : i32
    %dma_wait3A_132 = arith.constant 0 : i32
    %dma_wait3A_133 = tpu.memref_slice %arg6[%dma_wait3A_130, %dma_wait3A_131, %dma_wait3A_132] : memref<4x128x128xf32, #tpu.memory_space<vmem>> -> memref<1x128x128xf32, #tpu.memory_space<vmem>>
    %dma_wait3A_134 = tpu.memref_squeeze %dma_wait3A_133 : memref<1x128x128xf32, #tpu.memory_space<vmem>> -> memref<128x128xf32, #tpu.memory_space<vmem>>
    %dma_wait3A_135 = arith.constant 0 : i32
    %dma_wait3A_136 = tpu.memref_slice %arg5[%dma_wait3A_129, %dma_wait3A_135] : memref<4x128xi32, #tpu.memory_space<vmem>> -> memref<1x128xi32, #tpu.memory_space<vmem>>
    %dma_wait3A_137 = tpu.memref_squeeze %dma_wait3A_136 : memref<1x128xi32, #tpu.memory_space<vmem>> -> memref<128xi32, #tpu.memory_space<vmem>>
    %dma_wait3A_138 = arith.constant 0 : i32
    %dma_wait3A_139 = arith.constant 0 : i32
    %dma_wait3A_140 = tpu.memref_slice %arg7[%dma_wait3A_138, %dma_wait3A_139] : memref<1000x128xf32, #tpu.memory_space<vmem_shared>> -> memref<1000x128xf32, #tpu.memory_space<vmem_shared>>
    tpu.wait_indirect_dma semaphore(%arg8 : memref<!tpu.dma_semaphore, #tpu.memory_space<semaphore_mem>>) src(%dma_wait3A_140 : memref<1000x128xf32, #tpu.memory_space<vmem_shared>>) dst(%dma_wait3A_134 : memref<128x128xf32, #tpu.memory_space<vmem>>)
    %dma_start3A_141 = arith.constant 2 : i32
    %dma_start3A_142 = arith.constant 2 : i32
    %dma_start3A_143 = arith.constant 0 : i32
    %dma_start3A_144 = arith.constant 0 : i32
    %dma_start3A_145 = tpu.memref_slice %arg6[%dma_start3A_141, %dma_start3A_143, %dma_start3A_144] : memref<4x128x128xf32, #tpu.memory_space<vmem>> -> memref<1x128x128xf32, #tpu.memory_space<vmem>>
    %dma_start3A_146 = tpu.memref_squeeze %dma_start3A_145 : memref<1x128x128xf32, #tpu.memory_space<vmem>> -> memref<128x128xf32, #tpu.memory_space<vmem>>
    %dma_start3A_147 = arith.constant 0 : i32
    %dma_start3A_148 = arith.constant 0 : i32
    %dma_start3A_149 = tpu.memref_slice %arg4[%add3A, %dma_start3A_142, %dma_start3A_147, %dma_start3A_148] : memref<32x4x128x128xf32, #tpu.memory_space<hbm>> -> memref<1x1x128x128xf32, #tpu.memory_space<hbm>>
    %dma_start3A_150 = tpu.memref_squeeze %dma_start3A_149 : memref<1x1x128x128xf32, #tpu.memory_space<hbm>> -> memref<128x128xf32, #tpu.memory_space<hbm>>
    %dma_start3A_151 = arith.constant 0 : i32
    %dma_start3A_152 = arith.constant 0 : i32
    %dma_start3A_153 = tpu.memref_slice %arg4[%add3A, %dma_start3A_142, %dma_start3A_151, %dma_start3A_152] : memref<32x4x128x128xf32, #tpu.memory_space<hbm>> -> memref<1x1x128x128xf32, #tpu.memory_space<hbm>>
    %dma_start3A_154 = tpu.memref_squeeze %dma_start3A_153 : memref<1x1x128x128xf32, #tpu.memory_space<hbm>> -> memref<128x128xf32, #tpu.memory_space<hbm>>
    %dma_start3A_155 = arith.constant 0 : i32
    %dma_start3A_156 = arith.constant 0 : i32
    %dma_start3A_157 = tpu.memref_slice %arg6[%dma_start3A_141, %dma_start3A_155, %dma_start3A_156] : memref<4x128x128xf32, #tpu.memory_space<vmem>> -> memref<1x128x128xf32, #tpu.memory_space<vmem>>
    %dma_start3A_158 = tpu.memref_squeeze %dma_start3A_157 : memref<1x128x128xf32, #tpu.memory_space<vmem>> -> memref<128x128xf32, #tpu.memory_space<vmem>>
    tpu.enqueue_dma source(%dma_start3A_158 : memref<128x128xf32, #tpu.memory_space<vmem>>) target(%dma_start3A_154 : memref<128x128xf32, #tpu.memory_space<hbm>>) target_semaphore(%arg9 : memref<!tpu.dma_semaphore, #tpu.memory_space<semaphore_mem>>)
    %dma_wait3A_159 = arith.constant 3 : i32
    %dma_wait3A_160 = arith.constant 3 : i32
    %dma_wait3A_161 = arith.constant 0 : i32
    %dma_wait3A_162 = arith.constant 0 : i32
    %dma_wait3A_163 = tpu.memref_slice %arg6[%dma_wait3A_160, %dma_wait3A_161, %dma_wait3A_162] : memref<4x128x128xf32, #tpu.memory_space<vmem>> -> memref<1x128x128xf32, #tpu.memory_space<vmem>>
    %dma_wait3A_164 = tpu.memref_squeeze %dma_wait3A_163 : memref<1x128x128xf32, #tpu.memory_space<vmem>> -> memref<128x128xf32, #tpu.memory_space<vmem>>
    %dma_wait3A_165 = arith.constant 0 : i32
    %dma_wait3A_166 = tpu.memref_slice %arg5[%dma_wait3A_159, %dma_wait3A_165] : memref<4x128xi32, #tpu.memory_space<vmem>> -> memref<1x128xi32, #tpu.memory_space<vmem>>
    %dma_wait3A_167 = tpu.memref_squeeze %dma_wait3A_166 : memref<1x128xi32, #tpu.memory_space<vmem>> -> memref<128xi32, #tpu.memory_space<vmem>>
    %dma_wait3A_168 = arith.constant 0 : i32
    %dma_wait3A_169 = arith.constant 0 : i32
    %dma_wait3A_170 = tpu.memref_slice %arg7[%dma_wait3A_168, %dma_wait3A_169] : memref<1000x128xf32, #tpu.memory_space<vmem_shared>> -> memref<1000x128xf32, #tpu.memory_space<vmem_shared>>
    tpu.wait_indirect_dma semaphore(%arg8 : memref<!tpu.dma_semaphore, #tpu.memory_space<semaphore_mem>>) src(%dma_wait3A_170 : memref<1000x128xf32, #tpu.memory_space<vmem_shared>>) dst(%dma_wait3A_164 : memref<128x128xf32, #tpu.memory_space<vmem>>)
    %dma_start3A_171 = arith.constant 3 : i32
    %dma_start3A_172 = arith.constant 3 : i32
    %dma_start3A_173 = arith.constant 0 : i32
    %dma_start3A_174 = arith.constant 0 : i32
    %dma_start3A_175 = tpu.memref_slice %arg6[%dma_start3A_171, %dma_start3A_173, %dma_start3A_174] : memref<4x128x128xf32, #tpu.memory_space<vmem>> -> memref<1x128x128xf32, #tpu.memory_space<vmem>>
    %dma_start3A_176 = tpu.memref_squeeze %dma_start3A_175 : memref<1x128x128xf32, #tpu.memory_space<vmem>> -> memref<128x128xf32, #tpu.memory_space<vmem>>
    %dma_start3A_177 = arith.constant 0 : i32
    %dma_start3A_178 = arith.constant 0 : i32
    %dma_start3A_179 = tpu.memref_slice %arg4[%add3A, %dma_start3A_172, %dma_start3A_177, %dma_start3A_178] : memref<32x4x128x128xf32, #tpu.memory_space<hbm>> -> memref<1x1x128x128xf32, #tpu.memory_space<hbm>>
    %dma_start3A_180 = tpu.memref_squeeze %dma_start3A_179 : memref<1x1x128x128xf32, #tpu.memory_space<hbm>> -> memref<128x128xf32, #tpu.memory_space<hbm>>
    %dma_start3A_181 = arith.constant 0 : i32
    %dma_start3A_182 = arith.constant 0 : i32
    %dma_start3A_183 = tpu.memref_slice %arg4[%add3A, %dma_start3A_172, %dma_start3A_181, %dma_start3A_182] : memref<32x4x128x128xf32, #tpu.memory_space<hbm>> -> memref<1x1x128x128xf32, #tpu.memory_space<hbm>>
    %dma_start3A_184 = tpu.memref_squeeze %dma_start3A_183 : memref<1x1x128x128xf32, #tpu.memory_space<hbm>> -> memref<128x128xf32, #tpu.memory_space<hbm>>
    %dma_start3A_185 = arith.constant 0 : i32
    %dma_start3A_186 = arith.constant 0 : i32
    %dma_start3A_187 = tpu.memref_slice %arg6[%dma_start3A_171, %dma_start3A_185, %dma_start3A_186] : memref<4x128x128xf32, #tpu.memory_space<vmem>> -> memref<1x128x128xf32, #tpu.memory_space<vmem>>
    %dma_start3A_188 = tpu.memref_squeeze %dma_start3A_187 : memref<1x128x128xf32, #tpu.memory_space<vmem>> -> memref<128x128xf32, #tpu.memory_space<vmem>>
    tpu.enqueue_dma source(%dma_start3A_188 : memref<128x128xf32, #tpu.memory_space<vmem>>) target(%dma_start3A_184 : memref<128x128xf32, #tpu.memory_space<hbm>>) target_semaphore(%arg9 : memref<!tpu.dma_semaphore, #tpu.memory_space<semaphore_mem>>)
    %dma_wait3A_189 = arith.constant 0 : i32
    %dma_wait3A_190 = arith.constant 0 : i32
    %dma_wait3A_191 = arith.constant 0 : i32
    %dma_wait3A_192 = arith.constant 0 : i32
    %dma_wait3A_193 = tpu.memref_slice %arg6[%dma_wait3A_189, %dma_wait3A_191, %dma_wait3A_192] : memref<4x128x128xf32, #tpu.memory_space<vmem>> -> memref<1x128x128xf32, #tpu.memory_space<vmem>>
    %dma_wait3A_194 = tpu.memref_squeeze %dma_wait3A_193 : memref<1x128x128xf32, #tpu.memory_space<vmem>> -> memref<128x128xf32, #tpu.memory_space<vmem>>
    %dma_wait3A_195 = arith.constant 0 : i32
    %dma_wait3A_196 = arith.constant 0 : i32
    %dma_wait3A_197 = tpu.memref_slice %arg4[%add3A, %dma_wait3A_190, %dma_wait3A_195, %dma_wait3A_196] : memref<32x4x128x128xf32, #tpu.memory_space<hbm>> -> memref<1x1x128x128xf32, #tpu.memory_space<hbm>>
    %dma_wait3A_198 = tpu.memref_squeeze %dma_wait3A_197 : memref<1x1x128x128xf32, #tpu.memory_space<hbm>> -> memref<128x128xf32, #tpu.memory_space<hbm>>
    %dma_wait3A_199 = arith.constant 0 : i32
    %dma_wait3A_200 = arith.constant 0 : i32
    %dma_wait3A_201 = tpu.memref_slice %arg4[%add3A, %dma_wait3A_190, %dma_wait3A_199, %dma_wait3A_200] : memref<32x4x128x128xf32, #tpu.memory_space<hbm>> -> memref<1x1x128x128xf32, #tpu.memory_space<hbm>>
    %dma_wait3A_202 = tpu.memref_squeeze %dma_wait3A_201 : memref<1x1x128x128xf32, #tpu.memory_space<hbm>> -> memref<128x128xf32, #tpu.memory_space<hbm>>
    %dma_wait3A_203 = arith.constant 0 : i32
    %dma_wait3A_204 = arith.constant 0 : i32
    %dma_wait3A_205 = tpu.memref_slice %arg6[%dma_wait3A_189, %dma_wait3A_203, %dma_wait3A_204] : memref<4x128x128xf32, #tpu.memory_space<vmem>> -> memref<1x128x128xf32, #tpu.memory_space<vmem>>
    %dma_wait3A_206 = tpu.memref_squeeze %dma_wait3A_205 : memref<1x128x128xf32, #tpu.memory_space<vmem>> -> memref<128x128xf32, #tpu.memory_space<vmem>>
    tpu.wait_dma2 semaphore(%arg9 : memref<!tpu.dma_semaphore, #tpu.memory_space<semaphore_mem>>) src(%dma_wait3A_206 : memref<128x128xf32, #tpu.memory_space<vmem>>) dst(%dma_wait3A_202 : memref<128x128xf32, #tpu.memory_space<hbm>>)
    %dma_wait3A_207 = arith.constant 1 : i32
    %dma_wait3A_208 = arith.constant 1 : i32
    %dma_wait3A_209 = arith.constant 0 : i32
    %dma_wait3A_210 = arith.constant 0 : i32
    %dma_wait3A_211 = tpu.memref_slice %arg6[%dma_wait3A_207, %dma_wait3A_209, %dma_wait3A_210] : memref<4x128x128xf32, #tpu.memory_space<vmem>> -> memref<1x128x128xf32, #tpu.memory_space<vmem>>
    %dma_wait3A_212 = tpu.memref_squeeze %dma_wait3A_211 : memref<1x128x128xf32, #tpu.memory_space<vmem>> -> memref<128x128xf32, #tpu.memory_space<vmem>>
    %dma_wait3A_213 = arith.constant 0 : i32
    %dma_wait3A_214 = arith.constant 0 : i32
    %dma_wait3A_215 = tpu.memref_slice %arg4[%add3A, %dma_wait3A_208, %dma_wait3A_213, %dma_wait3A_214] : memref<32x4x128x128xf32, #tpu.memory_space<hbm>> -> memref<1x1x128x128xf32, #tpu.memory_space<hbm>>
    %dma_wait3A_216 = tpu.memref_squeeze %dma_wait3A_215 : memref<1x1x128x128xf32, #tpu.memory_space<hbm>> -> memref<128x128xf32, #tpu.memory_space<hbm>>
    %dma_wait3A_217 = arith.constant 0 : i32
    %dma_wait3A_218 = arith.constant 0 : i32
    %dma_wait3A_219 = tpu.memref_slice %arg4[%add3A, %dma_wait3A_208, %dma_wait3A_217, %dma_wait3A_218] : memref<32x4x128x128xf32, #tpu.memory_space<hbm>> -> memref<1x1x128x128xf32, #tpu.memory_space<hbm>>
    %dma_wait3A_220 = tpu.memref_squeeze %dma_wait3A_219 : memref<1x1x128x128xf32, #tpu.memory_space<hbm>> -> memref<128x128xf32, #tpu.memory_space<hbm>>
    %dma_wait3A_221 = arith.constant 0 : i32
    %dma_wait3A_222 = arith.constant 0 : i32
    %dma_wait3A_223 = tpu.memref_slice %arg6[%dma_wait3A_207, %dma_wait3A_221, %dma_wait3A_222] : memref<4x128x128xf32, #tpu.memory_space<vmem>> -> memref<1x128x128xf32, #tpu.memory_space<vmem>>
    %dma_wait3A_224 = tpu.memref_squeeze %dma_wait3A_223 : memref<1x128x128xf32, #tpu.memory_space<vmem>> -> memref<128x128xf32, #tpu.memory_space<vmem>>
    tpu.wait_dma2 semaphore(%arg9 : memref<!tpu.dma_semaphore, #tpu.memory_space<semaphore_mem>>) src(%dma_wait3A_224 : memref<128x128xf32, #tpu.memory_space<vmem>>) dst(%dma_wait3A_220 : memref<128x128xf32, #tpu.memory_space<hbm>>)
    %dma_wait3A_225 = arith.constant 2 : i32
    %dma_wait3A_226 = arith.constant 2 : i32
    %dma_wait3A_227 = arith.constant 0 : i32
    %dma_wait3A_228 = arith.constant 0 : i32
    %dma_wait3A_229 = tpu.memref_slice %arg6[%dma_wait3A_225, %dma_wait3A_227, %dma_wait3A_228] : memref<4x128x128xf32, #tpu.memory_space<vmem>> -> memref<1x128x128xf32, #tpu.memory_space<vmem>>
    %dma_wait3A_230 = tpu.memref_squeeze %dma_wait3A_229 : memref<1x128x128xf32, #tpu.memory_space<vmem>> -> memref<128x128xf32, #tpu.memory_space<vmem>>
    %dma_wait3A_231 = arith.constant 0 : i32
    %dma_wait3A_232 = arith.constant 0 : i32
    %dma_wait3A_233 = tpu.memref_slice %arg4[%add3A, %dma_wait3A_226, %dma_wait3A_231, %dma_wait3A_232] : memref<32x4x128x128xf32, #tpu.memory_space<hbm>> -> memref<1x1x128x128xf32, #tpu.memory_space<hbm>>
    %dma_wait3A_234 = tpu.memref_squeeze %dma_wait3A_233 : memref<1x1x128x128xf32, #tpu.memory_space<hbm>> -> memref<128x128xf32, #tpu.memory_space<hbm>>
    %dma_wait3A_235 = arith.constant 0 : i32
    %dma_wait3A_236 = arith.constant 0 : i32
    %dma_wait3A_237 = tpu.memref_slice %arg4[%add3A, %dma_wait3A_226, %dma_wait3A_235, %dma_wait3A_236] : memref<32x4x128x128xf32, #tpu.memory_space<hbm>> -> memref<1x1x128x128xf32, #tpu.memory_space<hbm>>
    %dma_wait3A_238 = tpu.memref_squeeze %dma_wait3A_237 : memref<1x1x128x128xf32, #tpu.memory_space<hbm>> -> memref<128x128xf32, #tpu.memory_space<hbm>>
    %dma_wait3A_239 = arith.constant 0 : i32
    %dma_wait3A_240 = arith.constant 0 : i32
    %dma_wait3A_241 = tpu.memref_slice %arg6[%dma_wait3A_225, %dma_wait3A_239, %dma_wait3A_240] : memref<4x128x128xf32, #tpu.memory_space<vmem>> -> memref<1x128x128xf32, #tpu.memory_space<vmem>>
    %dma_wait3A_242 = tpu.memref_squeeze %dma_wait3A_241 : memref<1x128x128xf32, #tpu.memory_space<vmem>> -> memref<128x128xf32, #tpu.memory_space<vmem>>
    tpu.wait_dma2 semaphore(%arg9 : memref<!tpu.dma_semaphore, #tpu.memory_space<semaphore_mem>>) src(%dma_wait3A_242 : memref<128x128xf32, #tpu.memory_space<vmem>>) dst(%dma_wait3A_238 : memref<128x128xf32, #tpu.memory_space<hbm>>)
    %dma_wait3A_243 = arith.constant 3 : i32
    %dma_wait3A_244 = arith.constant 3 : i32
    %dma_wait3A_245 = arith.constant 0 : i32
    %dma_wait3A_246 = arith.constant 0 : i32
    %dma_wait3A_247 = tpu.memref_slice %arg6[%dma_wait3A_243, %dma_wait3A_245, %dma_wait3A_246] : memref<4x128x128xf32, #tpu.memory_space<vmem>> -> memref<1x128x128xf32, #tpu.memory_space<vmem>>
    %dma_wait3A_248 = tpu.memref_squeeze %dma_wait3A_247 : memref<1x128x128xf32, #tpu.memory_space<vmem>> -> memref<128x128xf32, #tpu.memory_space<vmem>>
    %dma_wait3A_249 = arith.constant 0 : i32
    %dma_wait3A_250 = arith.constant 0 : i32
    %dma_wait3A_251 = tpu.memref_slice %arg4[%add3A, %dma_wait3A_244, %dma_wait3A_249, %dma_wait3A_250] : memref<32x4x128x128xf32, #tpu.memory_space<hbm>> -> memref<1x1x128x128xf32, #tpu.memory_space<hbm>>
    %dma_wait3A_252 = tpu.memref_squeeze %dma_wait3A_251 : memref<1x1x128x128xf32, #tpu.memory_space<hbm>> -> memref<128x128xf32, #tpu.memory_space<hbm>>
    %dma_wait3A_253 = arith.constant 0 : i32
    %dma_wait3A_254 = arith.constant 0 : i32
    %dma_wait3A_255 = tpu.memref_slice %arg4[%add3A, %dma_wait3A_244, %dma_wait3A_253, %dma_wait3A_254] : memref<32x4x128x128xf32, #tpu.memory_space<hbm>> -> memref<1x1x128x128xf32, #tpu.memory_space<hbm>>
    %dma_wait3A_256 = tpu.memref_squeeze %dma_wait3A_255 : memref<1x1x128x128xf32, #tpu.memory_space<hbm>> -> memref<128x128xf32, #tpu.memory_space<hbm>>
    %dma_wait3A_257 = arith.constant 0 : i32
    %dma_wait3A_258 = arith.constant 0 : i32
    %dma_wait3A_259 = tpu.memref_slice %arg6[%dma_wait3A_243, %dma_wait3A_257, %dma_wait3A_258] : memref<4x128x128xf32, #tpu.memory_space<vmem>> -> memref<1x128x128xf32, #tpu.memory_space<vmem>>
    %dma_wait3A_260 = tpu.memref_squeeze %dma_wait3A_259 : memref<1x128x128xf32, #tpu.memory_space<vmem>> -> memref<128x128xf32, #tpu.memory_space<vmem>>
    tpu.wait_dma2 semaphore(%arg9 : memref<!tpu.dma_semaphore, #tpu.memory_space<semaphore_mem>>) src(%dma_wait3A_260 : memref<128x128xf32, #tpu.memory_space<vmem>>) dst(%dma_wait3A_256 : memref<128x128xf32, #tpu.memory_space<hbm>>)
    return
  }
}

</mosaic_0001>

<sc_bundles>
// kernel: kernel.3.cloned.1.call-start
scs
__scs_entry_jumppad:
0x0: {  	(pc) =	sbr.rel $0x88, $3  }
0x1: {  	(tag) =	ssettag $0x0;
	lr =	simm.s32 $0x1  }
0x2: {  	[smem:$0x3F9F] =	sst lr;
	_ =	strace $0xD0000000  }
0x3: {  	_ = 	snop  }
0x4: {  	_ = 	snop  }
0x5: {  	_ = 	snop  }
0x6: {  	_ = 	snop  }
0x7: {  	_ = 	snop  }
__scs_overlays_trampoline_lowered:
0x8: {  	[smem:$0x3FAE] =	sst s0  }
0x9: {  	[smem:$0x3FAF] =	sst s1  }
0xa: {  	[smem:$0x3FB0] =	sst s2  }
0xb: {  	[smem:$0x3FB1] =	sst s3  }
0xc: {  	[smem:$0x3FB2] =	sst s4  }
0xd: {  	[smem:$0x3FB3] =	sst s5  }
0xe: {  	[smem:$0x3FB4] =	sst s6  }
0xf: {  	[smem:$0x3FB5] =	sst s7  }
0x10: {  	[smem:$0x3FB6] =	sst s8  }
0x11: {  	[smem:$0x3FB7] =	sst s9;
	s0 =	simm.s32 @!p0 $0x0  }
0x12: {  	s1 =	sld [smem:$0x3F9D];
	s0 =	simm.s32 @p0 $0x1  }
0x13: {  	[smem:$0x3FB8] =	sst s0;
	s0 =	simm.s32 @!p1 $0x0  }
0x14: {  	s2 =	sld [smem:$0x3F9C];
	s0 =	simm.s32 @p1 $0x1  }
0x15: {  	[smem:$0x3FB9] =	sst s0;
	s0 =	simm.s32 @!p2 $0x0  }
0x16: {  	s3 =	sld [smem:$0x3FDB];
	s0 =	simm.s32 @p2 $0x1  }
0x17: {  	s4 =	simm.s32 $0x1BF5;
	[smem:$0x3FBB] =	sst s0  }
0x18: {  	s0 =	sld [smem:$0x3F9E];
	_ =	swait.ge [sflag:s4], $0x0  }
0x19: {  	s7 =	sld [smem:$0x3F9F]  }
0x1a: {  	s8 =	sadd.s32 $0xFFFFE003, lr  }
0x1b: {  	s9 =	sadd.s32 $0xFFFFFEF7, lr;
	s5 =	simm.s32 $0xFFFFFFFF;
	p2 =	slt.u32 s8, $0xFFFFF086  }
0x1c: {  	p1 =	slt.u32 s9, $0xF7A;
	s5 =	simm.s32 @!p2 $0x0  }
0x1d: {  	s5 =	simm.s32 @p1 $0x1;
	p0 =	seq.s32 s7, s2  }
0x1e: {  	s7 =	smul.u32 @!p0 $0xF7A, s2;
	p2 =	seq.s32 @!p0 s5, $0x0  }
0x1f: {  	s9 =	smul.u32 $0xF7A, s1;
	s8 =	simm.s32 @!p0 $0x1BF5;
	p2 =	por !p2, p0  }
0x20: {  	[sflag:s8] =	ssyncset.s32 @!p0 $0xFFFFF086;
	s6 =	sadd.s32 @!p0 s3, s7;
	s7 =	simm.s32 @!p0 $0x108  }
0x21: {  	s3 =	sadd.s32 s3, s9;
	s6 =	sadd.s32 @!p0 $0x88, s6;
	s7 =	simm.s32 @p2 $0x1082  }
0x22: {  	[simem:s7], [sflag:s8] =	dma.local @!p0 [hbm:s6], $0xF7A  }
0x23: {  	s9 =	sor.u32 $0xD0000000, s2;
	s6 =	simm.s32 $0x108;
	_ =	swait.ge @!p0 [sflag:s8], $0x0  }
0x24: {  	s3 =	sadd.s32 $0x88, s3;
	s6 =	simm.s32 @!p1 $0x1082;
	[sflag:s4] =	ssyncset.s32 $0xFFFFF086  }
0x25: {  	[simem:s6], [sflag:s4] =	dma.local [hbm:s3], $0xF7A  }
0x26: {  	[smem:$0x3F9F] =	sst s1;
	(tag) =	ssettag s2;
	_ =	strace s9  }
0x27: {  	s1 =	sld [smem:$0x3FAF]  }
0x28: {  	s2 =	sld [smem:$0x3FB0]  }
0x29: {  	s4 =	sld [smem:$0x3FB2]  }
0x2a: {  	p0 =	seq.s32 s5, $0x0;
	s5 =	sld [smem:$0x3FB3]  }
0x2b: {  	s6 =	sld [smem:$0x3FB4]  }
0x2c: {  	s7 =	sld [smem:$0x3FB5]  }
0x2d: {  	s3 =	simm.s32 $0x108;
	s8 =	sld [smem:$0x3FB6]  }
0x2e: {  	s3 =	simm.s32 @!p0 $0x1082;
	s9 =	sld [smem:$0x3FB7]  }
0x2f: {  	lr =	sadd.s32 s0, s3;
	s0 =	sld [smem:$0x3FAE]  }
0x30: {  	s3 =	sld [smem:$0x3FB1]  }
0x31: {  	[smem:$0x3FBA] =	sst s10  }
0x32: {  	s10 =	sld [smem:$0x3FB8];
	_ =	sdelay $0x3  }
0x33: {  	p0 =	seq.s32 s10, $0x1;
	s10 =	sld [smem:$0x3FBA];
	_ =	sdelay $0x3  }
0x34: {  	[smem:$0x3FBA] =	sst s10  }
0x35: {  	s10 =	sld [smem:$0x3FB9];
	_ =	sdelay $0x3  }
0x36: {  	p1 =	seq.s32 s10, $0x1;
	s10 =	sld [smem:$0x3FBA];
	_ =	sdelay $0x3  }
0x37: {  	[smem:$0x3FBA] =	sst s10  }
0x38: {  	s10 =	sld [smem:$0x3FBB]  }
0x39: {  	_ = 	snop;
	(pc) =	sbr.ind lr, $3  }
0x3a: {  	_ = 	snop  }
0x3b: {  	_ = 	snop  }
0x3c: {  	p2 =	seq.s32 s10, $0x1;
	s10 =	sld [smem:$0x3FBA]  }
0x3d: {  	_ =	shalt  }
0x3e: {  	_ =	shalt  }
0x3f: {  	_ =	shalt  }
0x40: {  	_ =	shalt  }
0x41: {  	_ =	shalt  }
0x42: {  	_ =	shalt  }
0x43: {  	_ =	shalt  }
0x44: {  	_ =	shalt  }
0x45: {  	_ =	shalt  }
0x46: {  	_ =	shalt  }
0x47: {  	_ =	shalt  }
0x48: {  	_ =	shalt  }
0x49: {  	_ =	shalt  }
0x4a: {  	_ =	shalt  }
0x4b: {  	_ =	shalt  }
0x4c: {  	_ =	shalt  }
0x4d: {  	_ =	shalt  }
0x4e: {  	_ =	shalt  }
0x4f: {  	_ =	shalt  }
0x50: {  	_ =	shalt  }
0x51: {  	_ =	shalt  }
0x52: {  	_ =	shalt  }
0x53: {  	_ =	shalt  }
0x54: {  	_ =	shalt  }
0x55: {  	_ =	shalt  }
0x56: {  	_ =	shalt  }
0x57: {  	_ =	shalt  }
0x58: {  	_ =	shalt  }
0x59: {  	_ =	shalt  }
0x5a: {  	_ =	shalt  }
0x5b: {  	_ =	shalt  }
0x5c: {  	_ =	shalt  }
0x5d: {  	_ =	shalt  }
0x5e: {  	_ =	shalt  }
0x5f: {  	_ =	shalt  }
0x60: {  	_ =	shalt  }
0x61: {  	_ =	shalt  }
0x62: {  	_ =	shalt  }
0x63: {  	_ =	shalt  }
0x64: {  	_ =	shalt  }
0x65: {  	_ =	shalt  }
0x66: {  	_ =	shalt  }
0x67: {  	_ =	shalt  }
0x68: {  	_ =	shalt  }
0x69: {  	_ =	shalt  }
0x6a: {  	_ =	shalt  }
0x6b: {  	_ =	shalt  }
0x6c: {  	_ =	shalt  }
0x6d: {  	_ =	shalt  }
0x6e: {  	_ =	shalt  }
0x6f: {  	_ =	shalt  }
0x70: {  	_ =	shalt  }
0x71: {  	_ =	shalt  }
0x72: {  	_ =	shalt  }
0x73: {  	_ =	shalt  }
0x74: {  	_ =	shalt  }
0x75: {  	_ =	shalt  }
0x76: {  	_ =	shalt  }
0x77: {  	_ =	shalt  }
0x78: {  	_ =	shalt  }
0x79: {  	_ =	shalt  }
0x7a: {  	_ =	shalt  }
0x7b: {  	_ =	shalt  }
0x7c: {  	_ =	shalt  }
0x7d: {  	_ =	shalt  }
0x7e: {  	_ =	shalt  }
0x7f: {  	_ =	shalt  }
0x80: {  	_ =	shalt  }
0x81: {  	_ =	shalt  }
0x82: {  	_ =	shalt  }
0x83: {  	_ =	shalt  }
0x84: {  	_ =	shalt  }
0x85: {  	_ =	shalt  }
0x86: {  	_ =	shalt  }
0x87: {  	_ =	shalt  }
.Lfunc_end0:
.L_simem_size_0:
called_computation_lowered:
.L_overlay_start_0:
0x88: {  	s2 =	sld [smem:$0x3FD9]  }
0x89: {  	s3 =	sld [smem:$0x3FFE];
	_ =	sdelay $0x1  }
0x8a: {  	s1 =	srdreg.scid  }
0x8b: {  	s0 =	sand.u32 $0x1, s1  }
0x8c: {  	s18 =	sshll.u32 s0, $0xA;
	s2 =	sadd.s32 s3, s2  }
0x8d: {  	s2 =	sadd.s32 s2, s18  }
0x8e: {  	[smem:$0x3FC6] =	sst s2  }
0x8f: {  	_ = 	snop  }
0x90: {  	s2 =	sld [smem:$0x3FC9]  }
0x91: {  	s19 =	sld [smem:$0x3FC8]  }
0x92: {  	s4 =	sld [smem:$0x3FD0];
	(tm) =	ssettm $0x1  }
0x93: {  	s5 =	sld [smem:$0x3FFB];
	_ =	sdelay $0x3  }
0x94: {  	_ =	strace s5  }
0x95: {  	s5 =	sld [smem:$0x3FFC];
	_ =	sdelay $0x3  }
0x96: {  	_ =	strace s5  }
0x97: {  	s5 =	sld [smem:$0x3FFD];
	_ =	sdelay $0x3  }
0x98: {  	_ =	strace s5  }
0x99: {  	_ =	strace $0x8FFFFFFF  }
0x9a: {  	s20 =	sld [smem:$0x3FDB];
	_ =	sdelay $0x1  }
0x9b: {  	s6 =	simm.s32 $_scs_section_size  }
0x9c: {  	s7 =	simm.s32 $_size__tile_overlayer_lowered;
	s8 =	simm.s32 $_tile_overlayer_lowered  }
0x9d: {  	s23 =	simm.s32 $0x1BFF;
	s22 =	sshll.u32 s8, $0x1;
	s5 =	sadd.s32 s6, s20  }
0x9e: {  	s9 =	simm.s32 $0x0;
	s21 =	sshll.u32 s7, $0x1;
	s7 =	sadd.s32 s22, s5  }
0x9f: {  	[timem:s9], [sflag:s23] =	dma.local [hbm:s7], s21  }
0xa0: {  	_ =	swait.ge [sflag:s23], s21  }
0xa1: {  	s6 =	ssub.s32 $0x0, s21;
	[sflag:s23] =	ssyncset.done $0x0  }
0xa2: {  	[sflag:s23] =	ssyncadd.s32 s6;
	_ =	sdelay $0x1  }
0xa3: {  	s24 =	simm.s32 $0x1B8B  }
0xa4: {  	_ =	swait.ge [sflag:s24], $0x1  }
0xa5: {  	[sflag:s24] =	ssyncset.done $0x0  }
0xa6: {  	s25 =	simm.s32 $0x1B8E;
	[sflag:s24] =	ssyncadd.s32 $0xFFFFFFFF  }
0xa7: {  	s26 =	simm.s32 $execute0_lowered;
	[smem:$0x3FD2] =	sst s25  }
0xa8: {  	s6 =	sshll.u32 s26, $0x1;
	_ =	strace $0x80000046;
	[dreg:$0x1] =	wrdreg $0xFFFFFFFF  }
0xa9: {  	s28 =	simm.s32 $_size_execute0_lowered;
	s5 =	sadd.s32 s5, s6;
	[dreg:$0x0] =	wrdreg $0x0  }
0xaa: {  	s6 =	sshll.u32 s28, $0x1;
	[dreg:$0x2] =	wrdreg s5  }
0xab: {  	[dreg:$0x3] =	wrdreg s6  }
0xac: {  	[dreg:$0x4] =	wrdreg $0xC0  }
0xad: {  	_ =	task [dreg:s9], $0x5FFFF  }
0xae: {  	[dreg:$0x1] =	wrdreg $0xFFFFFFFF  }
0xaf: {  	[dreg:$0x0] =	wrdreg $0x60  }
0xb0: {  	[dreg:$0x2] =	wrdreg s19  }
0xb1: {  	[dreg:$0x3] =	wrdreg s2  }
0xb2: {  	[dreg:$0x4] =	wrdreg s4  }
0xb3: {  	[dreg:$0x5] =	wrdreg $0x102000  }
0xb4: {  	[dreg:$0x6] =	wrdreg $0x9  }
0xb5: {  	_ =	task.clear_ibuf [dreg:s9], $0x7FFFF;
	_ =	strace $0x90000046  }
0xb6: {  	s29 =	simm.s32 $0x9;
	_ =	strace $0x80000048  }
0xb7: {  	_ =	swait.ge [sflag:s29], $0x1  }
0xb8: {  	[sflag:s29] =	ssyncadd.s32 $0xFFFFFFFF  }
0xb9: {  	_ =	strace $0x90000048  }
0xba: {  	_ =	sfence  }
0xbb: {  	s30 =	sld [smem:$0x0];
	_ =	sdelay $0x2  }
0xbc: {  	s31 =	sshll.u32 s1, $0xD;
	s1 =	sshrl.u32 s1, $0x2  }
0xbd: {  	s3 =	sand.u32 $0x4000, s31;
	s1 =	sadd.s32 s1, s30  }
0xbe: {  	s0 =	sor.u32 s3, s0;
	s1 =	sshll.u32 s1, $0x11  }
0xbf: {  	s0 =	sor.u32 s1, s0  }
0xc0: {  	s0 =	sadd.s32 $0x8F2B, s0  }
0xc1: {  	[sflag:s0] =	ssyncadd.remote.s32 $0x1  }
0xc2: {  	_ =	sfence.sel $0xFFFF  }
0xc3: {  	[dreg:$0x0] =	wrdreg $0xFFFFFFFF;
	(pc) =	sbr.abs _section_cstart, $3  }
0xc4: {  	[dreg:$0x1] =	wrdreg $0xFFFFFFFF  }
0xc5: {  	_ =	task.clear_ibuf [dreg:s9], $0x2FFFF;
	_ =	strace $0x9FFFFFFF  }
0xc6: {  	(tm) =	ssettm $0x7FFFFFFF  }
0xc7: {  	_ =	shalt  }
tec
execute0_lowered:
.L_overlay_start_1:
0x0: {  	(tag) =	ssettag $0x1  }
0x1: {  	s9 =	rddreg [dreg:$0x0]  }
0x2: {  	s4 =	rddreg [dreg:$0x1]  }
0x3: {  	s22 =	rddreg [dreg:$0x2];
	s1 =	srdreg.scid  }
0x4: {  	s0 =	stileid.u32;
	s2 =	rddreg [dreg:$0x3]  }
0x5: {  	s3 =	simm.s32 $0x0;
	s26 =	sand.u32 $0x1, s1;
	s1 =	rddreg [dreg:$0x4]  }
0x6: {  	s5 =	sshll.u32 s0, $0x1;
	[smem:$0x7FF] =	sst s3  }
0x7: {  	s6 =	sshll.u32 s0, $0xD;
	p0 =	seq.s32 s0, $0xF;
	s23 =	sor.u32 s26, s5  }
0x8: {  	_ =	strace $0x80000047;
	s11 =	sadd.s32 s6, s2;
	s6 =	sadd.s32 $0x1E000, s2  }
0x9: {  	s7 =	simm.s32 @p0 $0x1FC3;
	s8 =	simm.s32 @p0 $0x3;
	s5 =	sshll.u32 s23, $0x6  }
0xa: {  	s6 =	sshrl.u32 @p0 s6, $0x3;
	s4 =	sadd.s32 s4, s5;
	s5 =	sadd.s32 $0x3C00, s9  }
0xb: {  	[tilespmem:s3], [sflag:$0x2] =	stream.linear.gather [hbm4b:s4+s3], $0x200, $0x38;
	[tilespmem:$0x12140] =	vst v63  }
0xc: {  	[spmem:s6], [sflag:s7] =	dma.local @p0 [hbm:s5], $0x280  }
0xd: {  	s10 =	sshll.u32 s0, $0xA;
	s12 =	sshll.u32 @!p0 s0, $0x6;
	_ =	swait.ge @p0 [sflag:s8], $0x280  }
0xe: {  	s11 =	sshrl.u32 @!p0 s11, $0x3;
	s9 =	sadd.s32 s9, s10;
	[sflag:s8] =	ssyncset.done @p0 $0x0  }
0xf: {  	s10 =	sor.u32 @!p0 $0x1C03, s12;
	s12 =	simm.s32 @!p0 $0x3;
	[sflag:s8] =	ssyncadd.s32 @p0 $0xFFFFFD80  }
0x10: {  	[spmem:s11], [sflag:s10] =	dma.local @!p0 [hbm:s9], $0x400  }
0x11: {  	_ =	swait.ge @!p0 [sflag:s12], $0x400  }
0x12: {  	[sflag:s12] =	ssyncset.done @!p0 $0x0  }
0x13: {  	s13 =	simm.s32 $0x2;
	[sflag:s12] =	ssyncadd.s32 @!p0 $0xFFFFFC00  }
0x14: {  	_ =	swait.ge [sflag:s13], $0x200  }
0x15: {  	[sflag:s13] =	ssyncset.done $0x0  }
0x16: {  	[sflag:s13] =	ssyncadd.s32 $0xFFFFFE00  }
0x17: {  	s14 =	simm.s32 $0x80;
	s15 =	simm.s32 $0x200;
	[bflag:$0x0] =	sbarrier.arrive $0xFFFF  }
0x18: {  	[tilespmem:s15], [sflag:$0x1] =	stream.indirect.gather [spmem:s2], $0x80, s3, s14, $0xb8;
	[tilespmem:$0x12140] =	vst v63  }
0x19: {  	s16 =	simm.s32 $0x4200  }
0x1a: {  	[tilespmem:s16], [sflag:$0x1] =	stream.indirect.gather [spmem:s2], $0x80, s14, s14, $0xb8;
	[tilespmem:$0x12140] =	vst v63  }
0x1b: {  	s17 =	simm.s32 $0x100;
	s18 =	simm.s32 $0x8200  }
0x1c: {  	[tilespmem:s18], [sflag:$0x1] =	stream.indirect.gather [spmem:s2], $0x80, s17, s14, $0xb8;
	[tilespmem:$0x12140] =	vst v63  }
0x1d: {  	s19 =	simm.s32 $0x180;
	s20 =	simm.s32 $0xC200;
	s21 =	simm.s32 $0x1  }
0x1e: {  	[tilespmem:s20], [sflag:$0x1] =	stream.indirect.gather [spmem:s2], $0x80, s19, s14, $0xb8;
	[tilespmem:$0x12140] =	vst v63  }
0x1f: {  	_ =	swait.ge [sflag:s21], $0x4000  }
0x20: {  	s23 =	sshll.u32 s23, $0xD;
	[sflag:s21] =	ssyncset.done $0x0  }
0x21: {  	s22 =	sadd.s32 s22, s23;
	[sflag:s21] =	ssyncadd.s32 $0xFFFFC000  }
0x22: {  	[hbm4b:s22+s3] =	stream.linear.scatter [tilespmem:s15], [sflag:$0x2], $0x4000, $0x38;
	[tilespmem:$0x12140] =	vst v63  }
0x23: {  	_ =	swait.ge [sflag:s21], $0x4000  }
0x24: {  	[sflag:s21] =	ssyncset.done $0x0  }
0x25: {  	s23 =	sadd.s32 $0x800, s22;
	[sflag:s21] =	ssyncadd.s32 $0xFFFFC000  }
0x26: {  	[hbm4b:s23+s3] =	stream.linear.scatter [tilespmem:s16], [sflag:$0x2], $0x4000, $0x38;
	[tilespmem:$0x12140] =	vst v63  }
0x27: {  	_ =	swait.ge [sflag:s21], $0x4000  }
0x28: {  	[sflag:s21] =	ssyncset.done $0x0  }
0x29: {  	s24 =	sadd.s32 $0x1000, s22;
	[sflag:s21] =	ssyncadd.s32 $0xFFFFC000  }
0x2a: {  	[hbm4b:s24+s3] =	stream.linear.scatter [tilespmem:s18], [sflag:$0x2], $0x4000, $0x38;
	[tilespmem:$0x12140] =	vst v63  }
0x2b: {  	_ =	swait.ge [sflag:s21], $0x4000  }
0x2c: {  	[sflag:s21] =	ssyncset.done $0x0  }
0x2d: {  	s25 =	sadd.s32 $0x1800, s22;
	[sflag:s21] =	ssyncadd.s32 $0xFFFFC000  }
0x2e: {  	[hbm4b:s25+s3] =	stream.linear.scatter [tilespmem:s20], [sflag:$0x2], $0x4000, $0x38;
	[tilespmem:$0x12140] =	vst v63  }
0x2f: {  	s26 =	ssub.s32 $0x2, s26;
	_ =	swait.ge [sflag:s13], $0x4000  }
0x30: {  	s28 =	sshrl.u32 s26, $0x1;
	[sflag:s13] =	ssyncset.done $0x0  }
0x31: {  	s26 =	ssub.s32 s26, s28;
	[sflag:s13] =	ssyncadd.s32 $0xFFFFC000  }
0x32: {  	s26 =	smax.u32 s26, $0x1;
	_ =	swait.ge [sflag:s13], $0x4000  }
0x33: {  	s26 =	sadd.s32 $0xFFFFFFFF, s26;
	[sflag:s13] =	ssyncset.done $0x0  }
0x34: {  	p1 =	sne.s32 s26, $0x0;
	[sflag:s13] =	ssyncadd.s32 $0xFFFFC000  }
.Ltmp0:
0x35: {  	_ =	swait.ge [sflag:s13], $0x4000;
	(pc) =	sbr.rel @!p1 .LBB2_2-.Ltmp0, $4  }
0x36: {  	[sflag:s13] =	ssyncset.done $0x0  }
0x37: {  	[sflag:s13] =	ssyncadd.s32 $0xFFFFC000  }
0x38: {  	_ =	swait.ge [sflag:s13], $0x4000  }
0x39: {  	[sflag:s13] =	ssyncset.done $0x0  }
.LBB2_1:
0x3a: {  	[sflag:s13] =	ssyncadd.s32 $0xFFFFC000  }
0x3b: {  	[tilespmem:s3], [sflag:$0x2] =	stream.linear.gather [hbm4b:s4+s3], $0x200, $0x38;
	[tilespmem:$0x12140] =	vst v63  }
0x3c: {  	[spmem:s6], [sflag:s7] =	dma.local @p0 [hbm:s5], $0x280  }
0x3d: {  	s26 =	sadd.s32 $0xFFFFFFFF, s26;
	_ =	swait.ge @p0 [sflag:s8], $0x280  }
0x3e: {  	p1 =	sne.s32 s26, $0x0;
	[sflag:s8] =	ssyncset.done @p0 $0x0  }
0x3f: {  	[sflag:s8] =	ssyncadd.s32 @p0 $0xFFFFFD80  }
0x40: {  	[spmem:s11], [sflag:s10] =	dma.local @!p0 [hbm:s9], $0x400  }
0x41: {  	_ =	swait.ge @!p0 [sflag:s12], $0x400  }
0x42: {  	[sflag:s12] =	ssyncset.done @!p0 $0x0  }
0x43: {  	[sflag:s12] =	ssyncadd.s32 @!p0 $0xFFFFFC00  }
0x44: {  	_ =	swait.ge [sflag:s13], $0x200  }
0x45: {  	[sflag:s13] =	ssyncset.done $0x0  }
0x46: {  	[sflag:s13] =	ssyncadd.s32 $0xFFFFFE00  }
0x47: {  	[bflag:$0x0] =	sbarrier.arrive $0xFFFF  }
0x48: {  	[tilespmem:s15], [sflag:$0x1] =	stream.indirect.gather [spmem:s2], $0x80, s3, s14, $0xb8;
	[tilespmem:$0x12140] =	vst v63  }
0x49: {  	_ = 	snop  }
0x4a: {  	[tilespmem:s16], [sflag:$0x1] =	stream.indirect.gather [spmem:s2], $0x80, s14, s14, $0xb8;
	[tilespmem:$0x12140] =	vst v63  }
0x4b: {  	_ = 	snop  }
0x4c: {  	[tilespmem:s18], [sflag:$0x1] =	stream.indirect.gather [spmem:s2], $0x80, s17, s14, $0xb8;
	[tilespmem:$0x12140] =	vst v63  }
0x4d: {  	_ = 	snop  }
0x4e: {  	[tilespmem:s20], [sflag:$0x1] =	stream.indirect.gather [spmem:s2], $0x80, s19, s14, $0xb8;
	[tilespmem:$0x12140] =	vst v63  }
0x4f: {  	_ =	swait.ge [sflag:s21], $0x4000  }
0x50: {  	[sflag:s21] =	ssyncset.done $0x0  }
0x51: {  	[sflag:s21] =	ssyncadd.s32 $0xFFFFC000  }
0x52: {  	[hbm4b:s22+s3] =	stream.linear.scatter [tilespmem:s15], [sflag:$0x2], $0x4000, $0x38;
	[tilespmem:$0x12140] =	vst v63  }
0x53: {  	_ =	swait.ge [sflag:s21], $0x4000  }
0x54: {  	[sflag:s21] =	ssyncset.done $0x0  }
0x55: {  	[sflag:s21] =	ssyncadd.s32 $0xFFFFC000  }
0x56: {  	[hbm4b:s23+s3] =	stream.linear.scatter [tilespmem:s16], [sflag:$0x2], $0x4000, $0x38;
	[tilespmem:$0x12140] =	vst v63  }
0x57: {  	_ =	swait.ge [sflag:s21], $0x4000  }
0x58: {  	[sflag:s21] =	ssyncset.done $0x0  }
0x59: {  	[sflag:s21] =	ssyncadd.s32 $0xFFFFC000  }
0x5a: {  	[hbm4b:s24+s3] =	stream.linear.scatter [tilespmem:s18], [sflag:$0x2], $0x4000, $0x38;
	[tilespmem:$0x12140] =	vst v63  }
0x5b: {  	_ =	swait.ge [sflag:s21], $0x4000  }
0x5c: {  	[sflag:s21] =	ssyncset.done $0x0  }
0x5d: {  	[sflag:s21] =	ssyncadd.s32 $0xFFFFC000  }
0x5e: {  	[hbm4b:s25+s3] =	stream.linear.scatter [tilespmem:s20], [sflag:$0x2], $0x4000, $0x38;
	[tilespmem:$0x12140] =	vst v63  }
0x5f: {  	_ =	swait.ge [sflag:s13], $0x4000  }
0x60: {  	[sflag:s13] =	ssyncset.done $0x0  }
0x61: {  	[sflag:s13] =	ssyncadd.s32 $0xFFFFC000  }
0x62: {  	_ =	swait.ge [sflag:s13], $0x4000  }
0x63: {  	[sflag:s13] =	ssyncset.done $0x0  }
0x64: {  	[sflag:s13] =	ssyncadd.s32 $0xFFFFC000  }
.Ltmp1:
0x65: {  	_ =	swait.ge [sflag:s13], $0x4000;
	(pc) =	sbr.rel @p1 .LBB2_1-.Ltmp1, $4  }
0x66: {  	[sflag:s13] =	ssyncset.done $0x0  }
0x67: {  	[sflag:s13] =	ssyncadd.s32 $0xFFFFC000  }
0x68: {  	_ =	swait.ge [sflag:s13], $0x4000  }
0x69: {  	[sflag:s13] =	ssyncset.done $0x0  }
.LBB2_2:
0x6a: {  	[sflag:s13] =	ssyncadd.s32 $0xFFFFC000  }
0x6b: {  	_ =	sfence.sel $0x180000  }
0x6c: {  	[bflag:$0x0] =	sbarrier.arrive $0xFFFF  }
0x6d: {  	p0 =	sne.s32 s0, $0x0;
	_ =	strace $0x90000047  }
0x6e: {  	s0 =	sadd.s32 @!p0 $0x100000, s1;
	[bflag:$0x2] =	sbarrier.arrive $0xFFFF  }
0x6f: {  	[sflag:s0] =	ssyncadd.tile.s32 @!p0 $0x1;
	_ =	shalt  }
.Lfunc_end2:
_tile_overlayer_lowered:
.L_overlay_start_2:
0x70: {  	(tag) =	ssettag $0x2  }
0x71: {  	s0 =	rddreg [dreg:$0x0];
	s2 =	stileid.u32  }
0x72: {  	s1 =	rddreg [dreg:$0x1];
	p0 =	sne.s32 s2, $0x0  }
0x73: {  	s3 =	rddreg [dreg:$0x2];
	[bflag:$0x3] =	sbarrier.arrive $0xFFFF;
	s2 =	simm.s32 @!p0 $0x1C03  }
0x74: {  	[timem:s3], [sflag:s2] =	dma.local @!p0 [hbm:s0], s1  }
0x75: {  	s0 =	simm.s32 @!p0 $0x3  }
0x76: {  	_ =	swait.ge @!p0 [sflag:s0], s1  }
0x77: {  	s1 =	ssub.s32 @!p0 $0x0, s1;
	[sflag:s0] =	ssyncset.done @!p0 $0x0  }
0x78: {  	[sflag:s0] =	ssyncadd.s32 @!p0 s1  }
0x79: {  	[bflag:$0x3] =	sbarrier.arrive $0xFFFF  }
0x7a: {  	_ =	shalt  }

</sc_bundles>
